<compile_context>
chip_gen: v7x
topology: tpu7x:2x2x1
jax: 0.10.2.dev20260603
libtpu: 0.0.44.dev20260713+nightly
codegen_flags: <defaults>
</compile_context>

<pallas_src>
import jax
import jax.numpy as jnp
from jax import lax
from jax.experimental import pallas as pl
from jax.experimental.pallas import tpu as pltpu
from jax.experimental.pallas import tpu_sc as plsc

_F_OUT = 64

_NW = 32
_MASK_N = 512000
_CHUNK = _MASK_N // _NW
_LBL_PAD = 50048

_BLK = 20000
_WIDE = 4


def _sc_mask_body(labels_ref, mask_ref, lbl_v, mask_v, sem):
    c = lax.axis_index("c")
    s = lax.axis_index("s")
    wid = s * 2 + c
    base = wid * _CHUNK

    def _fz(i, carry):
        mask_v[pl.ds(i * 16, 16)] = jnp.zeros((16,), jnp.float32)
        return carry
    lax.fori_loop(0, (_CHUNK + 16) // 16, _fz, 0)

    pltpu.sync_copy(labels_ref, lbl_v)

    ones = jnp.ones((16,), jnp.float32)

    def _scan(i, carry):
        lbl = lbl_v[pl.ds(i * 16, 16)]
        loc = lbl - base
        ok = (lbl >= base) & (lbl < base + _CHUNK)
        loc = jnp.where(ok, loc, _CHUNK)
        plsc.store_scatter(mask_v, [loc], ones)
        return carry
    lax.fori_loop(0, _LBL_PAD // 16, _scan, 0)

    pltpu.sync_copy(mask_v.at[pl.ds(0, _CHUNK)], mask_ref.at[pl.ds(base, _CHUNK)])


def _make_mask(labels):
    lbl = labels.astype(jnp.int32)
    pad = _LBL_PAD - lbl.shape[0]
    lbl = jnp.concatenate([lbl, jnp.broadcast_to(lbl[-1:], (pad,))])
    return pl.kernel(
        _sc_mask_body,
        out_type=jax.ShapeDtypeStruct((_MASK_N,), jnp.float32),
        mesh=plsc.VectorSubcoreMesh(core_axis_name="c", subcore_axis_name="s"),
        compiler_params=pltpu.CompilerParams(needs_layout_passes=False),
        scratch_types=[
            pltpu.VMEM((_LBL_PAD,), jnp.int32),
            pltpu.VMEM((_CHUNK + 16,), jnp.float32),
            pltpu.SemaphoreType.DMA,
        ],
    )(lbl)


def _tc_body(x_ref, m_ref, o_ref):
    xw = x_ref[...]
    mw = m_ref[...]
    fw = jnp.where(mw != 0, jnp.float32(1.0), xw)
    rows = _BLK // _WIDE
    f3 = jnp.broadcast_to(fw[:, :, None], (rows, _WIDE, _F_OUT))
    o_ref[...] = f3.reshape(_BLK, _F_OUT)


def kernel(x, shape, labels):
    del shape
    n = x.shape[0]
    rows = _BLK // _WIDE
    xw = x.reshape(n // _WIDE, _WIDE)
    mask = _make_mask(labels).reshape(_MASK_N // _WIDE, _WIDE)
    return pl.pallas_call(
        _tc_body,
        grid=(n // _BLK,),
        in_specs=[
            pl.BlockSpec((rows, _WIDE), lambda i: (i, 0)),
            pl.BlockSpec((rows, _WIDE), lambda i: (i, 0)),
        ],
        out_specs=pl.BlockSpec((_BLK, _F_OUT), lambda i: (i, 0)),
        out_shape=jax.ShapeDtypeStruct((n, _F_OUT), jnp.float32),
        compiler_params=pltpu.CompilerParams(
            dimension_semantics=("parallel",),
        ),
    )(xw, mask)

# --- scband reference (transcript-rebuilt; emitter-appended) ---
"""Pipeline reference for scband-expand-as-22368189678356 (READ-ONLY COPY).

The authoritative reference and input builder live on the scoring server;
editing this copy changes nothing except your own understanding.
"""

import jax, jax.numpy as jnp
import numpy as np

N = 500000
F_OUT = 64
N_LABELS = 50000

def setup_inputs(seed: int = 0) -> dict:
    key = jax.random.key(seed)
    k1, k2 = jax.random.split(key)
    x = jax.random.normal(k1, (N, 1), dtype=jnp.float32)
    labels = jax.random.randint(k2, (N_LABELS,), 0, N)
    shape = (N, F_OUT)
    return {"x": x, "shape": shape, "labels": labels}

def reference(x, shape, labels):
    # features[labels] = 1.0  (scatter-overwrite of entire rows)
    features = x.at[labels].set(1.0)
    # features.expand(*shape): broadcast size-1 feature dim to F_OUT
    static_shape = (x.shape[0], F_OUT)
    shape_zero = (shape[0] - shape[0] + shape[1] - shape[1]).astype(x.dtype) if hasattr(shape[0], "astype") else jnp.asarray(shape[0] - shape[0] + shape[1] - shape[1], dtype=x.dtype)
    output = jnp.broadcast_to(features, static_shape) + shape_zero
    return output

if __name__ == "__main__":
    import jax
    _d = setup_inputs()
    print(jax.jit(kernel)(*tuple(_d.values())))

</pallas_src>

<mosaic_0001>
#map = affine_map<(d0, d1) -> (0)>
module attributes {stable_mosaic.version = 14 : i64} {
  func.func @_sc_mask_body(%arg0: i32, %arg1: i32, %arg2: memref<50048xi32, #tpu.memory_space<hbm>>, %arg3: memref<512000xf32, #tpu.memory_space<hbm>>, %arg4: memref<50048xi32, #tpu.memory_space<vmem>>, %arg5: memref<16016xf32, #tpu.memory_space<vmem>>, %arg6: memref<!tpu.dma_semaphore, #tpu.memory_space<semaphore_mem>>) attributes {dimension_semantics = [#tpu.dimension_semantics<core_parallel>, #tpu.dimension_semantics<subcore_parallel>], iteration_bounds = array<i64: 2, 16>, scalar_prefetch = 0 : i64, scratch_operands = 3 : i64, tpu.core_type = #tpu.core_type<sc_vector_subcore>, window_params = [{transform_indices = #map}, {transform_indices = #map}]} {
    %mul3A = arith.constant 2 : i32
    %mul3A_0 = arith.muli %arg1, %mul3A : i32
    %add3A = arith.addi %mul3A_0, %arg0 : i32
    %mul3A_1 = arith.constant 16000 : i32
    %mul3A_2 = arith.muli %add3A, %mul3A_1 : i32
    %scan3A = arith.constant 0 : i32
    %scan3A_3 = arith.constant 0 : i32
    %scan3A_4 = arith.constant 1001 : i32
    %scan3A_5 = arith.addi %scan3A_3, %scan3A_4 : i32
    %scan3A_6 = arith.constant 1 : i32
    scf.for %scan3A_15 = %scan3A_3 to %scan3A_5 step %scan3A_6  : i32 {
      %broadcast_in_dim3A_16 = arith.constant 0.000000e+00 : f32
      %broadcast_in_dim3A_17 = vector.broadcast %broadcast_in_dim3A_16 : f32 to vector<16xf32>
      %mul3A_18 = arith.constant 16 : i32
      %mul3A_19 = arith.muli %scan3A_15, %mul3A_18 : i32
      %swap3A = arith.index_cast %mul3A_19 : i32 to index
      %swap3A_20 = tpu.vector_load %arg5[%swap3A] {strides = array<i32>} : memref<16016xf32, #tpu.memory_space<vmem>>, vector<16xf32>,
      tpu.vector_store %arg5[%swap3A], %broadcast_in_dim3A_17 {strides = array<i32>} : memref<16016xf32, #tpu.memory_space<vmem>>, vector<16xf32>,
    }
    %scan3A_7 = arith.constant 1001 : i32
    "tpu.region"() ({
      %run_scoped3A = tpu.sem_alloc : memref<!tpu.dma_semaphore, #tpu.memory_space<semaphore_mem>>
      tpu.enqueue_dma source(%arg2 : memref<50048xi32, #tpu.memory_space<hbm>>) target(%arg4 : memref<50048xi32, #tpu.memory_space<vmem>>) target_semaphore(%run_scoped3A : memref<!tpu.dma_semaphore, #tpu.memory_space<semaphore_mem>>)
      tpu.wait_dma2 semaphore(%run_scoped3A : memref<!tpu.dma_semaphore, #tpu.memory_space<semaphore_mem>>) src(%arg2 : memref<50048xi32, #tpu.memory_space<hbm>>) dst(%arg4 : memref<50048xi32, #tpu.memory_space<vmem>>)
      tpu.yield
    }) : () -> ()
    %broadcast_in_dim3A = arith.constant 1.000000e+00 : f32
    %broadcast_in_dim3A_8 = vector.broadcast %broadcast_in_dim3A : f32 to vector<16xf32>
    %scan3A_9 = arith.constant 0 : i32
    %scan3A_10 = arith.constant 0 : i32
    %scan3A_11 = arith.constant 3128 : i32
    %scan3A_12 = arith.addi %scan3A_10, %scan3A_11 : i32
    %scan3A_13 = arith.constant 1 : i32
    scf.for %scan3A_15 = %scan3A_10 to %scan3A_12 step %scan3A_13  : i32 {
      %mul3A_16 = arith.constant 16 : i32
      %mul3A_17 = arith.muli %scan3A_15, %mul3A_16 : i32
      %get3A = arith.index_cast %mul3A_17 : i32 to index
      %get3A_18 = tpu.vector_load %arg4[%get3A] {strides = array<i32>} : memref<50048xi32, #tpu.memory_space<vmem>>, vector<16xi32>,
      %sub3A = vector.broadcast %mul3A_2 : i32 to vector<16xi32>
      %sub3A_19 = arith.subi %get3A_18, %sub3A : vector<16xi32>
      %ge3A = vector.broadcast %mul3A_2 : i32 to vector<16xi32>
      %ge3A_20 = arith.cmpi sge, %get3A_18, %ge3A : vector<16xi32>
      %add3A_21 = arith.constant 16000 : i32
      %add3A_22 = arith.addi %mul3A_2, %add3A_21 : i32
      %lt3A = vector.broadcast %add3A_22 : i32 to vector<16xi32>
      %lt3A_23 = arith.cmpi slt, %get3A_18, %lt3A : vector<16xi32>
      %and3A = arith.andi %ge3A_20, %lt3A_23 : vector<16xi1>
      %jit3A = arith.constant 16000 : i32
      %broadcast_in_dim3A_24 = vector.broadcast %jit3A : i32 to vector<16xi32>
      %select_n3A = arith.select %and3A, %sub3A_19, %broadcast_in_dim3A_24 : vector<16xi1>, vector<16xi32>
      tpu.vector_store_idx %arg5[%select_n3A], %broadcast_in_dim3A_8 : memref<16016xf32, #tpu.memory_space<vmem>>[vector<16xi32>], vector<16xf32>,
    }
    %scan3A_14 = arith.constant 3128 : i32
    "tpu.region"() ({
      %run_scoped3A = tpu.sem_alloc : memref<!tpu.dma_semaphore, #tpu.memory_space<semaphore_mem>>
      %dma_start3A = arith.constant 0 : i32
      %dma_start3A_15 = tpu.memref_slice %arg5[%dma_start3A] : memref<16016xf32, #tpu.memory_space<vmem>> -> memref<16000xf32, #tpu.memory_space<vmem>>
      %dma_start3A_16 = tpu.memref_slice %arg3[%mul3A_2] : memref<512000xf32, #tpu.memory_space<hbm>> -> memref<16000xf32, #tpu.memory_space<hbm>>
      %dma_start3A_17 = tpu.memref_slice %arg3[%mul3A_2] : memref<512000xf32, #tpu.memory_space<hbm>> -> memref<16000xf32, #tpu.memory_space<hbm>>
      %dma_start3A_18 = arith.constant 0 : i32
      %dma_start3A_19 = tpu.memref_slice %arg5[%dma_start3A_18] : memref<16016xf32, #tpu.memory_space<vmem>> -> memref<16000xf32, #tpu.memory_space<vmem>>
      tpu.enqueue_dma source(%dma_start3A_19 : memref<16000xf32, #tpu.memory_space<vmem>>) target(%dma_start3A_17 : memref<16000xf32, #tpu.memory_space<hbm>>) target_semaphore(%run_scoped3A : memref<!tpu.dma_semaphore, #tpu.memory_space<semaphore_mem>>)
      %dma_wait3A = arith.constant 0 : i32
      %dma_wait3A_20 = tpu.memref_slice %arg5[%dma_wait3A] : memref<16016xf32, #tpu.memory_space<vmem>> -> memref<16000xf32, #tpu.memory_space<vmem>>
      %dma_wait3A_21 = tpu.memref_slice %arg3[%mul3A_2] : memref<512000xf32, #tpu.memory_space<hbm>> -> memref<16000xf32, #tpu.memory_space<hbm>>
      %dma_wait3A_22 = tpu.memref_slice %arg3[%mul3A_2] : memref<512000xf32, #tpu.memory_space<hbm>> -> memref<16000xf32, #tpu.memory_space<hbm>>
      %dma_wait3A_23 = arith.constant 0 : i32
      %dma_wait3A_24 = tpu.memref_slice %arg5[%dma_wait3A_23] : memref<16016xf32, #tpu.memory_space<vmem>> -> memref<16000xf32, #tpu.memory_space<vmem>>
      tpu.wait_dma2 semaphore(%run_scoped3A : memref<!tpu.dma_semaphore, #tpu.memory_space<semaphore_mem>>) src(%dma_wait3A_24 : memref<16000xf32, #tpu.memory_space<vmem>>) dst(%dma_wait3A_22 : memref<16000xf32, #tpu.memory_space<hbm>>)
      tpu.yield
    }) : () -> ()
    return
  }
}

module attributes {stable_mosaic.version = 14 : i64} {
  func.func @_tc_body(%arg0: i32, %arg1: memref<5000x4xf32, #tpu.memory_space<vmem>>, %arg2: memref<5000x4xf32, #tpu.memory_space<vmem>>, %arg3: memref<20000x64xf32, #tpu.memory_space<vmem>>) attributes {dimension_semantics = [#tpu.dimension_semantics<parallel>], iteration_bounds = array<i64: 25>, scalar_prefetch = 0 : i64, scratch_operands = 0 : i64, tpu.core_type = #tpu.core_type<tc>, window_params = [{transform_indices = @transform_0, window_bounds = array<i64: 5000, 4>}, {transform_indices = @transform_1, window_bounds = array<i64: 5000, 4>}, {transform_indices = @transform_2, window_bounds = array<i64: 20000, 64>}]} {
    %get3A = arith.constant 0 : index
    %get3A_0 = arith.constant 0 : index
    %get3A_1 = vector.load %arg1[%get3A, %get3A_0] : memref<5000x4xf32, #tpu.memory_space<vmem>>, vector<5000x4xf32>
    %get3A_2 = arith.constant 0 : index
    %get3A_3 = arith.constant 0 : index
    %get3A_4 = vector.load %arg2[%get3A_2, %get3A_3] : memref<5000x4xf32, #tpu.memory_space<vmem>>, vector<5000x4xf32>
    %ne3A = arith.constant 0.000000e+00 : f32
    %ne3A_5 = vector.broadcast %ne3A : f32 to vector<5000x4xf32>
    %ne3A_6 = arith.cmpf one, %get3A_4, %ne3A_5 : vector<5000x4xf32>
    %jit3A = arith.constant 1.000000e+00 : f32
    %broadcast_in_dim3A = vector.broadcast %jit3A : f32 to vector<5000x4xf32>
    %select_n3A = arith.select %ne3A_6, %broadcast_in_dim3A, %get3A_1 : vector<5000x4xi1>, vector<5000x4xf32>
    %broadcast_in_dim3A_7 = vector.shape_cast %select_n3A : vector<5000x4xf32> to vector<5000x4x1xf32>
    %broadcast_in_dim3A_8 = vector.shape_cast %broadcast_in_dim3A_7 : vector<5000x4x1xf32> to vector<5000x4x1xf32>
    %broadcast_in_dim3A_9 = vector.broadcast %broadcast_in_dim3A_8 : vector<5000x4x1xf32> to vector<5000x4x64xf32>
    %reshape3A = vector.shape_cast %broadcast_in_dim3A_9 : vector<5000x4x64xf32> to vector<20000x64xf32>
    %swap3A = arith.constant 0 : index
    %swap3A_10 = arith.constant 0 : index
    %swap3A_11 = vector.load %arg3[%swap3A, %swap3A_10] : memref<20000x64xf32, #tpu.memory_space<vmem>>, vector<20000x64xf32>
    tpu.vector_store %arg3[%swap3A, %swap3A_10], %reshape3A {strides = array<i32>} : memref<20000x64xf32, #tpu.memory_space<vmem>>, vector<20000x64xf32>,
    return
  }
  func.func @transform_0(%arg0: i32) -> (i32, i32) {
    %c0_i32 = arith.constant 0 : i32
    %c0_i32_0 = arith.constant 0 : i32
    return %arg0, %c0_i32 : i32, i32
  }
  func.func @transform_1(%arg0: i32) -> (i32, i32) {
    %c0_i32 = arith.constant 0 : i32
    %c0_i32_0 = arith.constant 0 : i32
    return %arg0, %c0_i32 : i32, i32
  }
  func.func @transform_2(%arg0: i32) -> (i32, i32) {
    %c0_i32 = arith.constant 0 : i32
    %c0_i32_0 = arith.constant 0 : i32
    return %arg0, %c0_i32 : i32, i32
  }
}

</mosaic_0001>

<sc_bundles>
// kernel: kernel.4.cloned.1.call-start
scs
__scs_entry_jumppad:
0x0: {  	(pc) =	sbr.rel $0x88, $3  }
0x1: {  	(tag) =	ssettag $0x0;
	lr =	simm.s32 $0x1  }
0x2: {  	[smem:$0x3F9F] =	sst lr;
	_ =	strace $0xD0000000  }
0x3: {  	_ = 	snop  }
0x4: {  	_ = 	snop  }
0x5: {  	_ = 	snop  }
0x6: {  	_ = 	snop  }
0x7: {  	_ = 	snop  }
__scs_overlays_trampoline_lowered:
0x8: {  	[smem:$0x3FAE] =	sst s0  }
0x9: {  	[smem:$0x3FAF] =	sst s1  }
0xa: {  	[smem:$0x3FB0] =	sst s2  }
0xb: {  	[smem:$0x3FB1] =	sst s3  }
0xc: {  	[smem:$0x3FB2] =	sst s4  }
0xd: {  	[smem:$0x3FB3] =	sst s5  }
0xe: {  	[smem:$0x3FB4] =	sst s6  }
0xf: {  	[smem:$0x3FB5] =	sst s7  }
0x10: {  	[smem:$0x3FB6] =	sst s8  }
0x11: {  	[smem:$0x3FB7] =	sst s9;
	s0 =	simm.s32 @!p0 $0x0  }
0x12: {  	s1 =	sld [smem:$0x3F9D];
	s0 =	simm.s32 @p0 $0x1  }
0x13: {  	[smem:$0x3FB8] =	sst s0;
	s0 =	simm.s32 @!p1 $0x0  }
0x14: {  	s2 =	sld [smem:$0x3F9C];
	s0 =	simm.s32 @p1 $0x1  }
0x15: {  	[smem:$0x3FB9] =	sst s0;
	s0 =	simm.s32 @!p2 $0x0  }
0x16: {  	s3 =	sld [smem:$0x3FDB];
	s0 =	simm.s32 @p2 $0x1  }
0x17: {  	s4 =	simm.s32 $0x1BF5;
	[smem:$0x3FBB] =	sst s0  }
0x18: {  	s0 =	sld [smem:$0x3F9E];
	_ =	swait.ge [sflag:s4], $0x0  }
0x19: {  	s7 =	sld [smem:$0x3F9F]  }
0x1a: {  	s8 =	sadd.s32 $0xFFFFE003, lr  }
0x1b: {  	s9 =	sadd.s32 $0xFFFFFEF7, lr;
	s5 =	simm.s32 $0xFFFFFFFF;
	p2 =	slt.u32 s8, $0xFFFFF086  }
0x1c: {  	p1 =	slt.u32 s9, $0xF7A;
	s5 =	simm.s32 @!p2 $0x0  }
0x1d: {  	s5 =	simm.s32 @p1 $0x1;
	p0 =	seq.s32 s7, s2  }
0x1e: {  	s7 =	smul.u32 @!p0 $0xF7A, s2;
	p2 =	seq.s32 @!p0 s5, $0x0  }
0x1f: {  	s9 =	smul.u32 $0xF7A, s1;
	s8 =	simm.s32 @!p0 $0x1BF5;
	p2 =	por !p2, p0  }
0x20: {  	[sflag:s8] =	ssyncset.s32 @!p0 $0xFFFFF086;
	s6 =	sadd.s32 @!p0 s3, s7;
	s7 =	simm.s32 @!p0 $0x108  }
0x21: {  	s3 =	sadd.s32 s3, s9;
	s6 =	sadd.s32 @!p0 $0x88, s6;
	s7 =	simm.s32 @p2 $0x1082  }
0x22: {  	[simem:s7], [sflag:s8] =	dma.local @!p0 [hbm:s6], $0xF7A  }
0x23: {  	s9 =	sor.u32 $0xD0000000, s2;
	s6 =	simm.s32 $0x108;
	_ =	swait.ge @!p0 [sflag:s8], $0x0  }
0x24: {  	s3 =	sadd.s32 $0x88, s3;
	s6 =	simm.s32 @!p1 $0x1082;
	[sflag:s4] =	ssyncset.s32 $0xFFFFF086  }
0x25: {  	[simem:s6], [sflag:s4] =	dma.local [hbm:s3], $0xF7A  }
0x26: {  	[smem:$0x3F9F] =	sst s1;
	(tag) =	ssettag s2;
	_ =	strace s9  }
0x27: {  	s1 =	sld [smem:$0x3FAF]  }
0x28: {  	s2 =	sld [smem:$0x3FB0]  }
0x29: {  	s4 =	sld [smem:$0x3FB2]  }
0x2a: {  	p0 =	seq.s32 s5, $0x0;
	s5 =	sld [smem:$0x3FB3]  }
0x2b: {  	s6 =	sld [smem:$0x3FB4]  }
0x2c: {  	s7 =	sld [smem:$0x3FB5]  }
0x2d: {  	s3 =	simm.s32 $0x108;
	s8 =	sld [smem:$0x3FB6]  }
0x2e: {  	s3 =	simm.s32 @!p0 $0x1082;
	s9 =	sld [smem:$0x3FB7]  }
0x2f: {  	lr =	sadd.s32 s0, s3;
	s0 =	sld [smem:$0x3FAE]  }
0x30: {  	s3 =	sld [smem:$0x3FB1]  }
0x31: {  	[smem:$0x3FBA] =	sst s10  }
0x32: {  	s10 =	sld [smem:$0x3FB8];
	_ =	sdelay $0x3  }
0x33: {  	p0 =	seq.s32 s10, $0x1;
	s10 =	sld [smem:$0x3FBA];
	_ =	sdelay $0x3  }
0x34: {  	[smem:$0x3FBA] =	sst s10  }
0x35: {  	s10 =	sld [smem:$0x3FB9];
	_ =	sdelay $0x3  }
0x36: {  	p1 =	seq.s32 s10, $0x1;
	s10 =	sld [smem:$0x3FBA];
	_ =	sdelay $0x3  }
0x37: {  	[smem:$0x3FBA] =	sst s10  }
0x38: {  	s10 =	sld [smem:$0x3FBB]  }
0x39: {  	_ = 	snop;
	(pc) =	sbr.ind lr, $3  }
0x3a: {  	_ = 	snop  }
0x3b: {  	_ = 	snop  }
0x3c: {  	p2 =	seq.s32 s10, $0x1;
	s10 =	sld [smem:$0x3FBA]  }
0x3d: {  	_ =	shalt  }
0x3e: {  	_ =	shalt  }
0x3f: {  	_ =	shalt  }
0x40: {  	_ =	shalt  }
0x41: {  	_ =	shalt  }
0x42: {  	_ =	shalt  }
0x43: {  	_ =	shalt  }
0x44: {  	_ =	shalt  }
0x45: {  	_ =	shalt  }
0x46: {  	_ =	shalt  }
0x47: {  	_ =	shalt  }
0x48: {  	_ =	shalt  }
0x49: {  	_ =	shalt  }
0x4a: {  	_ =	shalt  }
0x4b: {  	_ =	shalt  }
0x4c: {  	_ =	shalt  }
0x4d: {  	_ =	shalt  }
0x4e: {  	_ =	shalt  }
0x4f: {  	_ =	shalt  }
0x50: {  	_ =	shalt  }
0x51: {  	_ =	shalt  }
0x52: {  	_ =	shalt  }
0x53: {  	_ =	shalt  }
0x54: {  	_ =	shalt  }
0x55: {  	_ =	shalt  }
0x56: {  	_ =	shalt  }
0x57: {  	_ =	shalt  }
0x58: {  	_ =	shalt  }
0x59: {  	_ =	shalt  }
0x5a: {  	_ =	shalt  }
0x5b: {  	_ =	shalt  }
0x5c: {  	_ =	shalt  }
0x5d: {  	_ =	shalt  }
0x5e: {  	_ =	shalt  }
0x5f: {  	_ =	shalt  }
0x60: {  	_ =	shalt  }
0x61: {  	_ =	shalt  }
0x62: {  	_ =	shalt  }
0x63: {  	_ =	shalt  }
0x64: {  	_ =	shalt  }
0x65: {  	_ =	shalt  }
0x66: {  	_ =	shalt  }
0x67: {  	_ =	shalt  }
0x68: {  	_ =	shalt  }
0x69: {  	_ =	shalt  }
0x6a: {  	_ =	shalt  }
0x6b: {  	_ =	shalt  }
0x6c: {  	_ =	shalt  }
0x6d: {  	_ =	shalt  }
0x6e: {  	_ =	shalt  }
0x6f: {  	_ =	shalt  }
0x70: {  	_ =	shalt  }
0x71: {  	_ =	shalt  }
0x72: {  	_ =	shalt  }
0x73: {  	_ =	shalt  }
0x74: {  	_ =	shalt  }
0x75: {  	_ =	shalt  }
0x76: {  	_ =	shalt  }
0x77: {  	_ =	shalt  }
0x78: {  	_ =	shalt  }
0x79: {  	_ =	shalt  }
0x7a: {  	_ =	shalt  }
0x7b: {  	_ =	shalt  }
0x7c: {  	_ =	shalt  }
0x7d: {  	_ =	shalt  }
0x7e: {  	_ =	shalt  }
0x7f: {  	_ =	shalt  }
0x80: {  	_ =	shalt  }
0x81: {  	_ =	shalt  }
0x82: {  	_ =	shalt  }
0x83: {  	_ =	shalt  }
0x84: {  	_ =	shalt  }
0x85: {  	_ =	shalt  }
0x86: {  	_ =	shalt  }
0x87: {  	_ =	shalt  }
.Lfunc_end0:
.L_simem_size_0:
called_computation_lowered:
.L_overlay_start_0:
0x88: {  	s2 =	sld [smem:$0x3FD9]  }
0x89: {  	s3 =	sld [smem:$0x3FFE];
	_ =	sdelay $0x1  }
0x8a: {  	s1 =	srdreg.scid  }
0x8b: {  	s0 =	sand.u32 $0x1, s1  }
0x8c: {  	s17 =	sshll.u32 s0, $0xA;
	s2 =	sadd.s32 s3, s2  }
0x8d: {  	s2 =	sadd.s32 s2, s17  }
0x8e: {  	[smem:$0x3FC6] =	sst s2  }
0x8f: {  	_ = 	snop  }
0x90: {  	s2 =	sld [smem:$0x3FD0];
	(tm) =	ssettm $0x1  }
0x91: {  	s18 =	sld [smem:$0x3FFB];
	_ =	sdelay $0x3  }
0x92: {  	_ =	strace s18  }
0x93: {  	s3 =	sld [smem:$0x3FFC];
	_ =	sdelay $0x3  }
0x94: {  	_ =	strace s3  }
0x95: {  	s3 =	sld [smem:$0x3FFD];
	_ =	sdelay $0x3  }
0x96: {  	_ =	strace s3  }
0x97: {  	_ =	strace $0x8FFFFFFF  }
0x98: {  	s19 =	sld [smem:$0x3FDB];
	_ =	sdelay $0x1  }
0x99: {  	s4 =	simm.s32 $_scs_section_size  }
0x9a: {  	s5 =	simm.s32 $_size__tile_overlayer_lowered;
	s6 =	simm.s32 $_tile_overlayer_lowered  }
0x9b: {  	s22 =	simm.s32 $0x1BFF;
	s21 =	sshll.u32 s6, $0x1;
	s3 =	sadd.s32 s4, s19  }
0x9c: {  	s7 =	simm.s32 $0x0;
	s20 =	sshll.u32 s5, $0x1;
	s5 =	sadd.s32 s21, s3  }
0x9d: {  	[timem:s7], [sflag:s22] =	dma.local [hbm:s5], s20  }
0x9e: {  	_ =	swait.ge [sflag:s22], s20  }
0x9f: {  	s4 =	ssub.s32 $0x0, s20;
	[sflag:s22] =	ssyncset.done $0x0  }
0xa0: {  	[sflag:s22] =	ssyncadd.s32 s4;
	_ =	sdelay $0x1  }
0xa1: {  	s23 =	simm.s32 $0x1B8B  }
0xa2: {  	_ =	swait.ge [sflag:s23], $0x1  }
0xa3: {  	[sflag:s23] =	ssyncset.done $0x0  }
0xa4: {  	s25 =	simm.s32 $0x1B8E;
	s24 =	sld [smem:$0x3FFE];
	[sflag:s23] =	ssyncadd.s32 $0xFFFFFFFF  }
0xa5: {  	s26 =	simm.s32 $execute0_lowered;
	[smem:$0x3FD2] =	sst s25  }
0xa6: {  	s5 =	sshll.u32 s26, $0x1;
	_ =	strace $0x80000046;
	[dreg:$0x1] =	wrdreg $0xFFFFFFFF  }
0xa7: {  	s28 =	simm.s32 $_size_execute0_lowered;
	s3 =	sadd.s32 s3, s5;
	[dreg:$0x0] =	wrdreg $0x0  }
0xa8: {  	s5 =	sshll.u32 s28, $0x1;
	[dreg:$0x2] =	wrdreg s3  }
0xa9: {  	[dreg:$0x3] =	wrdreg s5  }
0xaa: {  	[dreg:$0x4] =	wrdreg $0xC0  }
0xab: {  	_ =	task [dreg:s7], $0x5FFFF  }
0xac: {  	[dreg:$0x1] =	wrdreg $0xFFFFFFFF  }
0xad: {  	[dreg:$0x0] =	wrdreg $0x60  }
0xae: {  	[dreg:$0x2] =	wrdreg s2  }
0xaf: {  	[dreg:$0x3] =	wrdreg s24  }
0xb0: {  	[dreg:$0x4] =	wrdreg $0x9  }
0xb1: {  	_ =	task.clear_ibuf [dreg:s7], $0x5FFFF;
	_ =	strace $0x90000046  }
0xb2: {  	s29 =	simm.s32 $0x9;
	_ =	strace $0x80000048  }
0xb3: {  	_ =	swait.ge [sflag:s29], $0x1  }
0xb4: {  	[sflag:s29] =	ssyncadd.s32 $0xFFFFFFFF  }
0xb5: {  	_ =	strace $0x90000048  }
0xb6: {  	_ =	sfence  }
0xb7: {  	s30 =	sld [smem:$0x0];
	_ =	sdelay $0x2  }
0xb8: {  	s31 =	sshll.u32 s1, $0xD;
	s1 =	sshrl.u32 s1, $0x2  }
0xb9: {  	s3 =	sand.u32 $0x4000, s31;
	s1 =	sadd.s32 s1, s30  }
0xba: {  	s0 =	sor.u32 s3, s0;
	s1 =	sshll.u32 s1, $0x11  }
0xbb: {  	s0 =	sor.u32 s1, s0  }
0xbc: {  	s0 =	sadd.s32 $0x8F2B, s0  }
0xbd: {  	[sflag:s0] =	ssyncadd.remote.s32 $0x1  }
0xbe: {  	_ =	sfence.sel $0xFFFF  }
0xbf: {  	[dreg:$0x0] =	wrdreg $0xFFFFFFFF;
	(pc) =	sbr.abs _section_cstart, $3  }
0xc0: {  	[dreg:$0x1] =	wrdreg $0xFFFFFFFF  }
0xc1: {  	_ =	task.clear_ibuf [dreg:s7], $0x2FFFF;
	_ =	strace $0x9FFFFFFF  }
0xc2: {  	(tm) =	ssettm $0x7FFFFFFF  }
0xc3: {  	_ =	shalt  }
tec
execute0_lowered:
.L_overlay_start_1:
0x0: {  	(tag) =	ssettag $0x1  }
0x1: {  	s2 =	rddreg [dreg:$0x0];
	s1 =	srdreg.scid  }
0x2: {  	s0 =	stileid.u32;
	s4 =	rddreg [dreg:$0x1]  }
0x3: {  	s8 =	simm.s32 $0x0;
	s5 =	sand.u32 $0x1, s1;
	s3 =	sshll.u32 s0, $0x1  }
0x4: {  	s6 =	sor.u32 s5, s3;
	s3 =	simm.s32 $0x0;
	s5 =	ssub.s32 $0x2, s5  }
0x5: {  	s6 =	smul.u32 $0x3E80, s6;
	[smem:$0x7FF] =	sst s3;
	s7 =	sshrl.u32 s5, $0x1  }
0x6: {  	s1 =	rddreg [dreg:$0x2];
	_ =	strace $0x80000047;
	s5 =	ssub.s32 s5, s7  }
0x7: {  	s7 =	simm.s32 $0xC380;
	s31 =	sshrl.u32 s6, $0x3;
	v0 =	vmov s6;
	s6 =	sadd.s32 $0x3E80, s6  }
0x8: {  	v2 =	vimm.f32 $0.0e+00;
	v3 =	vimm.f32 $1.000000000e+00;
	s5 =	smax.u32 s5, $0x1;
	s4 =	sadd.s32 s4, s31;
	v1 =	vmov s6;
	s6 =	simm.s32 $0x1  }
.LBB2_1:
0x9: {  	s9 =	simm.s32 $0x40;
	s10 =	simm.s32 $0x0  }
.LBB2_2:
0xa: {  	p0 =	sne.s32 s9, $0xFA00;
	[tilespmem:s10+$0xC380] =	vst v2;
	s10 =	smov.u32 s9;
	s9 =	sadd.s32 $0x40, s9  }
.Ltmp0:
0xb: {  	(pc) =	sbr.rel @p0 .LBB2_2-.Ltmp0, $2  }
0xc: {  	_ =	sdelay $0x2  }
0xd: {  	s10 =	sshra.s32 s10, $0x2  }
0xe: {  	[tilespmem:s10+$0xC380] =	vst v2;
	s9 =	simm.s32 $0x0  }
0xf: {  	[tilespmem:s9], [sflag:$0x1] =	stream.linear.gather [hbm4b:s2+s9], $0xC380, $0x38;
	[tilespmem:$0x10280] =	vst v63  }
0x10: {  	_ =	swait.ge [sflag:s6], $0xC380  }
0x11: {  	[sflag:s6] =	ssyncset.done $0x0  }
0x12: {  	s10 =	simm.s32 $0x0;
	s9 =	simm.s32 $0x40;
	[sflag:s6] =	ssyncadd.s32 $0xFFFF3C80  }
.LBB2_4:
0x13: {  	p0 =	sne.s32 s9, $0x30DC0;
	v4 =	vld [tilespmem:s10+$0x0];
	_ =	sdelay $0x4  }
0x14: {  	vm0 =	vge.s32 v4, v0;
	vm1 =	vlt.s32 v4, v1  }
0x15: {  	v4 =	vsub.s32 v4, v0;
	vm0 =	vmand vm0, vm1  }
0x16: {  	v4 =	vnsel vm0, $0x3E80, v4  }
.Ltmp1:
0x17: {  	(pc) =	sbr.rel @p0 .LBB2_4-.Ltmp1, $2  }
0x18: {  	_ =	sdelay $0x2  }
0x19: {  	s10 =	sshra.s32 s9, $0x2;
	s9 =	sadd.s32 $0x40, s9;
	[tilespmem:v4+s7+$0x0] =	vst.idx.msk $0xffff, v3  }
0x1a: {  	v4 =	vld [tilespmem:s10+$0x0];
	_ =	sdelay $0x4  }
0x1b: {  	vm0 =	vge.s32 v4, v0;
	vm1 =	vlt.s32 v4, v1  }
0x1c: {  	v4 =	vsub.s32 v4, v0;
	vm0 =	vmand vm0, vm1  }
0x1d: {  	v4 =	vnsel vm0, $0x3E80, v4;
	_ =	sdelay $0x2  }
0x1e: {  	s8 =	sadd.s32 $0x1, s8  }
0x1f: {  	p0 =	sne.s32 s8, s5  }
.Ltmp2:
0x20: {  	[tilespmem:v4+s7+$0x0] =	vst.idx.msk $0xffff, v3;
	(pc) =	sbr.rel @p0 .LBB2_1-.Ltmp2, $4  }
0x21: {  	[hbm4b:s4+s3] =	stream.linear.scatter [tilespmem:s7], [sflag:$0x1], $0x3E80, $0x38;
	[tilespmem:$0x10280] =	vst v63  }
0x22: {  	_ =	swait.ge [sflag:s6], $0x3E80  }
0x23: {  	[sflag:s6] =	ssyncset.done $0x0  }
0x24: {  	[sflag:s6] =	ssyncadd.s32 $0xFFFFC180  }
0x25: {  	_ =	sfence.sel $0x180000  }
0x26: {  	[bflag:$0x0] =	sbarrier.arrive $0xFFFF  }
0x27: {  	p0 =	sne.s32 s0, $0x0;
	_ =	strace $0x90000047  }
0x28: {  	s0 =	sadd.s32 @!p0 $0x100000, s1;
	[bflag:$0x2] =	sbarrier.arrive $0xFFFF  }
0x29: {  	[sflag:s0] =	ssyncadd.tile.s32 @!p0 $0x1;
	_ =	shalt  }
.Lfunc_end2:
_tile_overlayer_lowered:
.L_overlay_start_2:
0x2a: {  	(tag) =	ssettag $0x2  }
0x2b: {  	s0 =	rddreg [dreg:$0x0];
	s2 =	stileid.u32  }
0x2c: {  	s1 =	rddreg [dreg:$0x1];
	p0 =	sne.s32 s2, $0x0  }
0x2d: {  	s3 =	rddreg [dreg:$0x2];
	[bflag:$0x3] =	sbarrier.arrive $0xFFFF;
	s2 =	simm.s32 @!p0 $0x1C01  }
0x2e: {  	[timem:s3], [sflag:s2] =	dma.local @!p0 [hbm:s0], s1  }
0x2f: {  	s0 =	simm.s32 @!p0 $0x1  }
0x30: {  	_ =	swait.ge @!p0 [sflag:s0], s1  }
0x31: {  	s1 =	ssub.s32 @!p0 $0x0, s1;
	[sflag:s0] =	ssyncset.done @!p0 $0x0  }
0x32: {  	[sflag:s0] =	ssyncadd.s32 @!p0 s1  }
0x33: {  	[bflag:$0x3] =	sbarrier.arrive $0xFFFF  }
0x34: {  	_ =	shalt  }

</sc_bundles>
